<compile_context>
chip_gen: v7x
topology: tpu7x:2x2x1
jax: 0.10.2.dev20260603
libtpu: 0.0.44.dev20260713+nightly
codegen_flags: <defaults>
</compile_context>

<pallas_src>
import functools

import jax
import jax.numpy as jnp
from jax import lax
from jax.experimental import pallas as pl
from jax.experimental.pallas import tpu as pltpu
from jax.experimental.pallas import tpu_sc as plsc

K = 4
N_NODES = 10000
D_FEAT = 128
D_HALF = D_FEAT // 2
N_EDGES = 320000
NUM_SUBCORES = 16
CHUNK = 128
CHUNKS = -(-N_EDGES // NUM_SUBCORES // CHUNK)
EDGES_PAD = NUM_SUBCORES * CHUNKS * CHUNK
ROWS_PER_SUB = 624
ROWS_TAIL_AT = ROWS_PER_SUB * NUM_SUBCORES
ROWS_TAIL = N_NODES - ROWS_TAIL_AT


@functools.partial(
    pl.kernel,
    out_type=[
        jax.ShapeDtypeStruct((N_NODES, D_HALF), jnp.float32),
        jax.ShapeDtypeStruct((N_NODES, D_HALF), jnp.float32),
    ],
    mesh=plsc.VectorSubcoreMesh(core_axis_name="c", subcore_axis_name="s"),
    scratch_types=[
        pltpu.VMEM((CHUNKS, CHUNK), jnp.int32),
        pltpu.VMEM((CHUNKS, CHUNK), jnp.int32),
        pltpu.VMEM((2, CHUNK, D_HALF), jnp.float32),
        pltpu.VMEM_SHARED((N_NODES + 1, D_HALF), jnp.float32),
        pltpu.SemaphoreType.DMA,
    ],
    compiler_params=pltpu.CompilerParams(use_tc_tiling_on_sc=False),
)
def _hgnn_sc(xa, xb, src_idx, dst_idx, out_a, out_b,
             src_v, dst_v, rows_v, acc, gsem):
    cid = lax.axis_index("c")
    sid = lax.axis_index("s")

    def copy_rows(src, dst):
        r0 = sid * ROWS_PER_SUB
        pltpu.sync_copy(src.at[pl.ds(r0, ROWS_PER_SUB)],
                        dst.at[pl.ds(r0, ROWS_PER_SUB)])

        @pl.when(sid == NUM_SUBCORES - 1)
        def _():
            pltpu.sync_copy(src.at[pl.ds(ROWS_TAIL_AT, ROWS_TAIL)],
                            dst.at[pl.ds(ROWS_TAIL_AT, ROWS_TAIL)])

    def run(table, out):
        copy_rows(table, acc)
        pltpu.sync_copy(src_idx.at[sid], src_v)
        pltpu.sync_copy(dst_idx.at[sid], dst_v)
        plsc.subcore_barrier()

        pltpu.async_copy(table.at[src_v.at[0]], rows_v.at[0], gsem)

        def step(j, carry):
            cur = lax.rem(j, 2)
            pltpu.make_async_copy(table.at[src_v.at[j]], rows_v.at[cur],
                                  gsem).wait()

            @pl.when(j + 1 < CHUNKS)
            def _():
                pltpu.async_copy(table.at[src_v.at[j + 1]],
                                 rows_v.at[1 - cur], gsem)

            pltpu.sync_copy(rows_v.at[cur], acc.at[dst_v.at[j]], add=True)
            return carry

        lax.fori_loop(0, CHUNKS, step, 0)
        plsc.subcore_barrier()
        copy_rows(acc, out)

    @pl.when(cid == 0)
    def _():
        run(xa, out_a)

    @pl.when(cid == 1)
    def _():
        run(xb, out_b)


def kernel(x, hyperedge_index):
    src = hyperedge_index[0]
    dst = hyperedge_index[1].reshape(-1, K)[:, 0]
    dst4 = jnp.broadcast_to(dst[:, None], (N_EDGES // K, K)).reshape(-1)
    pad = EDGES_PAD - N_EDGES
    srcp = jnp.concatenate([src, jnp.zeros((pad,), jnp.int32)])
    dstp = jnp.concatenate([dst4, jnp.full((pad,), N_NODES, jnp.int32)])
    srcp = srcp.reshape(NUM_SUBCORES, CHUNKS, CHUNK)
    dstp = dstp.reshape(NUM_SUBCORES, CHUNKS, CHUNK)
    xa = x[:, :D_HALF]
    xb = x[:, D_HALF:]
    out_a, out_b = _hgnn_sc(xa, xb, srcp, dstp)
    return jnp.concatenate([out_a, out_b], axis=1)

# --- scband reference (transcript-rebuilt; emitter-appended) ---
"""Pipeline reference for scband-hgnn-38938173505545 (READ-ONLY COPY).

The authoritative reference and input builder live on the scoring server;
editing this copy changes nothing except your own understanding.
"""

import jax, jax.numpy as jnp
import numpy as np

K = 4  # hyperedge cardinality (single fixed cardinality group)
N_NODES = 10000
D_FEAT = 128
N_EDGES = 320000  # must be divisible by K


def setup_inputs(seed: int = 0) -> dict:
    key = jax.random.key(seed)
    k1, k2 = jax.random.split(key)
    x = jax.random.normal(k1, (N_NODES, D_FEAT), dtype=jnp.float32)
    hyperedge_index = jax.random.randint(k2, (2, N_EDGES), 0, N_NODES, dtype=jnp.int32)
    return {"x": x, "hyperedge_index": hyperedge_index}


def reference(x, hyperedge_index):
    # Faithful translation of HGNN.forward for a single hyperedge cardinality K.
    # Original torch code iterates a dict {cardinality i: int64[2, n_i*i]}; here the
    # loop body is reproduced for one cardinality group.
    d = x.shape[1]
    # ind = reshape(hyperedge_index[1], (-1, i))[:, 0]  -> destination node per hyperedge
    dst = hyperedge_index[1].reshape(-1, K)[:, 0]
    # help = x[hyperedge_index[0]]  -> gather member-node features
    gathered = jnp.take(x, hyperedge_index[0], axis=0)            # [E, d]
    concat = gathered.reshape(-1, K * d)                          # [E/K, K*d]
    # weight = diag(ones(d)).repeat(i, 1)  -> stacked identities: mm sums the K members
    weight = jnp.tile(jnp.eye(d, dtype=x.dtype), (K, 1))          # [K*d, d]
    transformed = concat @ weight                                 # [E/K, d]
    # scatter_add into zeros_like(x) at dim 0, then residual add
    out = jnp.zeros_like(x).at[dst].add(transformed)
    out = x + out
    return out

if __name__ == "__main__":
    import jax
    _d = setup_inputs()
    print(jax.jit(kernel)(*tuple(_d.values())))

</pallas_src>

<mosaic_0001>
#map = affine_map<(d0, d1) -> (0, 0)>
#map1 = affine_map<(d0, d1) -> (0, 0, 0)>
module attributes {stable_mosaic.version = 14 : i64} {
  func.func @_hgnn_sc(%arg0: i32, %arg1: i32, %arg2: memref<10000x64xf32, #tpu.memory_space<hbm>>, %arg3: memref<10000x64xf32, #tpu.memory_space<hbm>>, %arg4: memref<16x157x128xi32, #tpu.memory_space<hbm>>, %arg5: memref<16x157x128xi32, #tpu.memory_space<hbm>>, %arg6: memref<10000x64xf32, #tpu.memory_space<hbm>>, %arg7: memref<10000x64xf32, #tpu.memory_space<hbm>>, %arg8: memref<157x128xi32, #tpu.memory_space<vmem>>, %arg9: memref<157x128xi32, #tpu.memory_space<vmem>>, %arg10: memref<2x128x64xf32, #tpu.memory_space<vmem>>, %arg11: memref<10001x64xf32, #tpu.memory_space<vmem_shared>>, %arg12: memref<!tpu.dma_semaphore, #tpu.memory_space<semaphore_mem>>) attributes {dimension_semantics = [#tpu.dimension_semantics<core_parallel>, #tpu.dimension_semantics<subcore_parallel>], iteration_bounds = array<i64: 2, 16>, scalar_prefetch = 0 : i64, scratch_operands = 5 : i64, tpu.core_type = #tpu.core_type<sc_vector_subcore>, window_params = [{transform_indices = #map}, {transform_indices = #map}, {transform_indices = #map1}, {transform_indices = #map1}, {transform_indices = #map}, {transform_indices = #map}]} {
    %eq3A = arith.constant 0 : i32
    %eq3A_0 = arith.cmpi eq, %arg0, %eq3A : i32
    %convert_element_type3A = arith.extui %eq3A_0 : i1 to i32
    %cond3A = arith.constant 0 : i32
    %cond3A_1 = arith.cmpi ne, %convert_element_type3A, %cond3A : i32
    scf.if %cond3A_1 {
      %mul3A = arith.constant 624 : i32
      %mul3A_7 = arith.muli %arg1, %mul3A : i32
      "tpu.region"() ({
        %run_scoped3A = tpu.sem_alloc : memref<!tpu.dma_semaphore, #tpu.memory_space<semaphore_mem>>
        %dma_start3A_37 = arith.constant 0 : i32
        %dma_start3A_38 = tpu.memref_slice %arg11[%mul3A_7, %dma_start3A_37] : memref<10001x64xf32, #tpu.memory_space<vmem_shared>> -> memref<624x64xf32, #tpu.memory_space<vmem_shared>>
        %dma_start3A_39 = arith.constant 0 : i32
        %dma_start3A_40 = tpu.memref_slice %arg2[%mul3A_7, %dma_start3A_39] : memref<10000x64xf32, #tpu.memory_space<hbm>> -> memref<624x64xf32, #tpu.memory_space<hbm>>
        tpu.enqueue_dma source(%dma_start3A_40 : memref<624x64xf32, #tpu.memory_space<hbm>>) target(%dma_start3A_38 : memref<624x64xf32, #tpu.memory_space<vmem_shared>>) target_semaphore(%run_scoped3A : memref<!tpu.dma_semaphore, #tpu.memory_space<semaphore_mem>>)
        %dma_wait3A = arith.constant 0 : i32
        %dma_wait3A_41 = tpu.memref_slice %arg11[%mul3A_7, %dma_wait3A] : memref<10001x64xf32, #tpu.memory_space<vmem_shared>> -> memref<624x64xf32, #tpu.memory_space<vmem_shared>>
        %dma_wait3A_42 = arith.constant 0 : i32
        %dma_wait3A_43 = tpu.memref_slice %arg2[%mul3A_7, %dma_wait3A_42] : memref<10000x64xf32, #tpu.memory_space<hbm>> -> memref<624x64xf32, #tpu.memory_space<hbm>>
        tpu.wait_dma2 semaphore(%run_scoped3A : memref<!tpu.dma_semaphore, #tpu.memory_space<semaphore_mem>>) src(%dma_wait3A_43 : memref<624x64xf32, #tpu.memory_space<hbm>>) dst(%dma_wait3A_41 : memref<624x64xf32, #tpu.memory_space<vmem_shared>>)
        tpu.yield
      }) : () -> ()
      %eq3A_8 = arith.constant 15 : i32
      %eq3A_9 = arith.cmpi eq, %arg1, %eq3A_8 : i32
      %convert_element_type3A_10 = arith.extui %eq3A_9 : i1 to i32
      %cond3A_11 = arith.constant 0 : i32
      %cond3A_12 = arith.cmpi ne, %convert_element_type3A_10, %cond3A_11 : i32
      scf.if %cond3A_12 {
        "tpu.region"() ({
          %run_scoped3A = tpu.sem_alloc : memref<!tpu.dma_semaphore, #tpu.memory_space<semaphore_mem>>
          %dma_start3A_37 = arith.constant 9984 : i32
          %dma_start3A_38 = arith.constant 0 : i32
          %dma_start3A_39 = tpu.memref_slice %arg11[%dma_start3A_37, %dma_start3A_38] : memref<10001x64xf32, #tpu.memory_space<vmem_shared>> -> memref<16x64xf32, #tpu.memory_space<vmem_shared>>
          %dma_start3A_40 = arith.constant 9984 : i32
          %dma_start3A_41 = arith.constant 0 : i32
          %dma_start3A_42 = tpu.memref_slice %arg2[%dma_start3A_40, %dma_start3A_41] : memref<10000x64xf32, #tpu.memory_space<hbm>> -> memref<16x64xf32, #tpu.memory_space<hbm>>
          tpu.enqueue_dma source(%dma_start3A_42 : memref<16x64xf32, #tpu.memory_space<hbm>>) target(%dma_start3A_39 : memref<16x64xf32, #tpu.memory_space<vmem_shared>>) target_semaphore(%run_scoped3A : memref<!tpu.dma_semaphore, #tpu.memory_space<semaphore_mem>>)
          %dma_wait3A = arith.constant 9984 : i32
          %dma_wait3A_43 = arith.constant 0 : i32
          %dma_wait3A_44 = tpu.memref_slice %arg11[%dma_wait3A, %dma_wait3A_43] : memref<10001x64xf32, #tpu.memory_space<vmem_shared>> -> memref<16x64xf32, #tpu.memory_space<vmem_shared>>
          %dma_wait3A_45 = arith.constant 9984 : i32
          %dma_wait3A_46 = arith.constant 0 : i32
          %dma_wait3A_47 = tpu.memref_slice %arg2[%dma_wait3A_45, %dma_wait3A_46] : memref<10000x64xf32, #tpu.memory_space<hbm>> -> memref<16x64xf32, #tpu.memory_space<hbm>>
          tpu.wait_dma2 semaphore(%run_scoped3A : memref<!tpu.dma_semaphore, #tpu.memory_space<semaphore_mem>>) src(%dma_wait3A_47 : memref<16x64xf32, #tpu.memory_space<hbm>>) dst(%dma_wait3A_44 : memref<16x64xf32, #tpu.memory_space<vmem_shared>>)
          tpu.yield
        }) : () -> ()
      } else {
      }
      "tpu.region"() ({
        %run_scoped3A = tpu.sem_alloc : memref<!tpu.dma_semaphore, #tpu.memory_space<semaphore_mem>>
        %dma_start3A_37 = arith.constant 0 : i32
        %dma_start3A_38 = arith.constant 0 : i32
        %dma_start3A_39 = tpu.memref_slice %arg4[%arg1, %dma_start3A_37, %dma_start3A_38] : memref<16x157x128xi32, #tpu.memory_space<hbm>> -> memref<1x157x128xi32, #tpu.memory_space<hbm>>
        %dma_start3A_40 = tpu.memref_squeeze %dma_start3A_39 : memref<1x157x128xi32, #tpu.memory_space<hbm>> -> memref<157x128xi32, #tpu.memory_space<hbm>>
        %dma_start3A_41 = arith.constant 0 : i32
        %dma_start3A_42 = arith.constant 0 : i32
        %dma_start3A_43 = tpu.memref_slice %arg4[%arg1, %dma_start3A_41, %dma_start3A_42] : memref<16x157x128xi32, #tpu.memory_space<hbm>> -> memref<1x157x128xi32, #tpu.memory_space<hbm>>
        %dma_start3A_44 = tpu.memref_squeeze %dma_start3A_43 : memref<1x157x128xi32, #tpu.memory_space<hbm>> -> memref<157x128xi32, #tpu.memory_space<hbm>>
        tpu.enqueue_dma source(%dma_start3A_44 : memref<157x128xi32, #tpu.memory_space<hbm>>) target(%arg8 : memref<157x128xi32, #tpu.memory_space<vmem>>) target_semaphore(%run_scoped3A : memref<!tpu.dma_semaphore, #tpu.memory_space<semaphore_mem>>)
        %dma_wait3A = arith.constant 0 : i32
        %dma_wait3A_45 = arith.constant 0 : i32
        %dma_wait3A_46 = tpu.memref_slice %arg4[%arg1, %dma_wait3A, %dma_wait3A_45] : memref<16x157x128xi32, #tpu.memory_space<hbm>> -> memref<1x157x128xi32, #tpu.memory_space<hbm>>
        %dma_wait3A_47 = tpu.memref_squeeze %dma_wait3A_46 : memref<1x157x128xi32, #tpu.memory_space<hbm>> -> memref<157x128xi32, #tpu.memory_space<hbm>>
        %dma_wait3A_48 = arith.constant 0 : i32
        %dma_wait3A_49 = arith.constant 0 : i32
        %dma_wait3A_50 = tpu.memref_slice %arg4[%arg1, %dma_wait3A_48, %dma_wait3A_49] : memref<16x157x128xi32, #tpu.memory_space<hbm>> -> memref<1x157x128xi32, #tpu.memory_space<hbm>>
        %dma_wait3A_51 = tpu.memref_squeeze %dma_wait3A_50 : memref<1x157x128xi32, #tpu.memory_space<hbm>> -> memref<157x128xi32, #tpu.memory_space<hbm>>
        tpu.wait_dma2 semaphore(%run_scoped3A : memref<!tpu.dma_semaphore, #tpu.memory_space<semaphore_mem>>) src(%dma_wait3A_51 : memref<157x128xi32, #tpu.memory_space<hbm>>) dst(%arg8 : memref<157x128xi32, #tpu.memory_space<vmem>>)
        tpu.yield
      }) : () -> ()
      "tpu.region"() ({
        %run_scoped3A = tpu.sem_alloc : memref<!tpu.dma_semaphore, #tpu.memory_space<semaphore_mem>>
        %dma_start3A_37 = arith.constant 0 : i32
        %dma_start3A_38 = arith.constant 0 : i32
        %dma_start3A_39 = tpu.memref_slice %arg5[%arg1, %dma_start3A_37, %dma_start3A_38] : memref<16x157x128xi32, #tpu.memory_space<hbm>> -> memref<1x157x128xi32, #tpu.memory_space<hbm>>
        %dma_start3A_40 = tpu.memref_squeeze %dma_start3A_39 : memref<1x157x128xi32, #tpu.memory_space<hbm>> -> memref<157x128xi32, #tpu.memory_space<hbm>>
        %dma_start3A_41 = arith.constant 0 : i32
        %dma_start3A_42 = arith.constant 0 : i32
        %dma_start3A_43 = tpu.memref_slice %arg5[%arg1, %dma_start3A_41, %dma_start3A_42] : memref<16x157x128xi32, #tpu.memory_space<hbm>> -> memref<1x157x128xi32, #tpu.memory_space<hbm>>
        %dma_start3A_44 = tpu.memref_squeeze %dma_start3A_43 : memref<1x157x128xi32, #tpu.memory_space<hbm>> -> memref<157x128xi32, #tpu.memory_space<hbm>>
        tpu.enqueue_dma source(%dma_start3A_44 : memref<157x128xi32, #tpu.memory_space<hbm>>) target(%arg9 : memref<157x128xi32, #tpu.memory_space<vmem>>) target_semaphore(%run_scoped3A : memref<!tpu.dma_semaphore, #tpu.memory_space<semaphore_mem>>)
        %dma_wait3A = arith.constant 0 : i32
        %dma_wait3A_45 = arith.constant 0 : i32
        %dma_wait3A_46 = tpu.memref_slice %arg5[%arg1, %dma_wait3A, %dma_wait3A_45] : memref<16x157x128xi32, #tpu.memory_space<hbm>> -> memref<1x157x128xi32, #tpu.memory_space<hbm>>
        %dma_wait3A_47 = tpu.memref_squeeze %dma_wait3A_46 : memref<1x157x128xi32, #tpu.memory_space<hbm>> -> memref<157x128xi32, #tpu.memory_space<hbm>>
        %dma_wait3A_48 = arith.constant 0 : i32
        %dma_wait3A_49 = arith.constant 0 : i32
        %dma_wait3A_50 = tpu.memref_slice %arg5[%arg1, %dma_wait3A_48, %dma_wait3A_49] : memref<16x157x128xi32, #tpu.memory_space<hbm>> -> memref<1x157x128xi32, #tpu.memory_space<hbm>>
        %dma_wait3A_51 = tpu.memref_squeeze %dma_wait3A_50 : memref<1x157x128xi32, #tpu.memory_space<hbm>> -> memref<157x128xi32, #tpu.memory_space<hbm>>
        tpu.wait_dma2 semaphore(%run_scoped3A : memref<!tpu.dma_semaphore, #tpu.memory_space<semaphore_mem>>) src(%dma_wait3A_51 : memref<157x128xi32, #tpu.memory_space<hbm>>) dst(%arg9 : memref<157x128xi32, #tpu.memory_space<vmem>>)
        tpu.yield
      }) : () -> ()
      %barrier3A = arith.constant 0 : index
      tpu.barrier barrier_id(%barrier3A)
      %dma_start3A = arith.constant 0 : i32
      %dma_start3A_13 = arith.constant 0 : i32
      %dma_start3A_14 = arith.constant 0 : i32
      %dma_start3A_15 = arith.constant 0 : i32
      %dma_start3A_16 = tpu.memref_slice %arg10[%dma_start3A_13, %dma_start3A_14, %dma_start3A_15] : memref<2x128x64xf32, #tpu.memory_space<vmem>> -> memref<1x128x64xf32, #tpu.memory_space<vmem>>
      %dma_start3A_17 = tpu.memref_squeeze %dma_start3A_16 : memref<1x128x64xf32, #tpu.memory_space<vmem>> -> memref<128x64xf32, #tpu.memory_space<vmem>>
      %dma_start3A_18 = arith.constant 0 : i32
      %dma_start3A_19 = tpu.memref_slice %arg8[%dma_start3A, %dma_start3A_18] : memref<157x128xi32, #tpu.memory_space<vmem>> -> memref<1x128xi32, #tpu.memory_space<vmem>>
      %dma_start3A_20 = tpu.memref_squeeze %dma_start3A_19 : memref<1x128xi32, #tpu.memory_space<vmem>> -> memref<128xi32, #tpu.memory_space<vmem>>
      %dma_start3A_21 = arith.constant 0 : i32
      %dma_start3A_22 = arith.constant 0 : i32
      %dma_start3A_23 = tpu.memref_slice %arg2[%dma_start3A_21, %dma_start3A_22] : memref<10000x64xf32, #tpu.memory_space<hbm>> -> memref<10000x64xf32, #tpu.memory_space<hbm>>
      tpu.enqueue_indirect_dma source(%dma_start3A_23 : memref<10000x64xf32, #tpu.memory_space<hbm>>) target(%dma_start3A_17 : memref<128x64xf32, #tpu.memory_space<vmem>>) offsets(%dma_start3A_20 : memref<128xi32, #tpu.memory_space<vmem>>) semaphore(%arg12 : memref<!tpu.dma_semaphore, #tpu.memory_space<semaphore_mem>>)
      %scan3A = arith.constant 0 : i32
      %scan3A_24 = arith.constant 0 : i32
      %scan3A_25 = arith.constant 157 : i32
      %scan3A_26 = arith.addi %scan3A_24, %scan3A_25 : i32
      %scan3A_27 = arith.constant 1 : i32
      scf.for %scan3A_37 = %scan3A_24 to %scan3A_26 step %scan3A_27  : i32 {
        %rem3A = arith.constant 2 : i32
        %rem3A_38 = arith.remsi %scan3A_37, %rem3A : i32
        %dma_wait3A = arith.constant 0 : i32
        %dma_wait3A_39 = arith.constant 0 : i32
        %dma_wait3A_40 = tpu.memref_slice %arg10[%rem3A_38, %dma_wait3A, %dma_wait3A_39] : memref<2x128x64xf32, #tpu.memory_space<vmem>> -> memref<1x128x64xf32, #tpu.memory_space<vmem>>
        %dma_wait3A_41 = tpu.memref_squeeze %dma_wait3A_40 : memref<1x128x64xf32, #tpu.memory_space<vmem>> -> memref<128x64xf32, #tpu.memory_space<vmem>>
        %dma_wait3A_42 = arith.constant 0 : i32
        %dma_wait3A_43 = tpu.memref_slice %arg8[%scan3A_37, %dma_wait3A_42] : memref<157x128xi32, #tpu.memory_space<vmem>> -> memref<1x128xi32, #tpu.memory_space<vmem>>
        %dma_wait3A_44 = tpu.memref_squeeze %dma_wait3A_43 : memref<1x128xi32, #tpu.memory_space<vmem>> -> memref<128xi32, #tpu.memory_space<vmem>>
        %dma_wait3A_45 = arith.constant 0 : i32
        %dma_wait3A_46 = arith.constant 0 : i32
        %dma_wait3A_47 = tpu.memref_slice %arg2[%dma_wait3A_45, %dma_wait3A_46] : memref<10000x64xf32, #tpu.memory_space<hbm>> -> memref<10000x64xf32, #tpu.memory_space<hbm>>
        tpu.wait_indirect_dma semaphore(%arg12 : memref<!tpu.dma_semaphore, #tpu.memory_space<semaphore_mem>>) src(%dma_wait3A_47 : memref<10000x64xf32, #tpu.memory_space<hbm>>) dst(%dma_wait3A_41 : memref<128x64xf32, #tpu.memory_space<vmem>>)
        %add3A = arith.constant 1 : i32
        %add3A_48 = arith.addi %scan3A_37, %add3A : i32
        %lt3A = arith.constant 157 : i32
        %lt3A_49 = arith.cmpi slt, %add3A_48, %lt3A : i32
        %convert_element_type3A_50 = arith.extui %lt3A_49 : i1 to i32
        %cond3A_51 = arith.constant 0 : i32
        %cond3A_52 = arith.cmpi ne, %convert_element_type3A_50, %cond3A_51 : i32
        scf.if %cond3A_52 {
          %add3A_53 = arith.constant 1 : i32
          %add3A_54 = arith.addi %scan3A_37, %add3A_53 : i32
          %sub3A = arith.constant 1 : i32
          %sub3A_55 = arith.subi %sub3A, %rem3A_38 : i32
          %dma_start3A_56 = arith.constant 0 : i32
          %dma_start3A_57 = arith.constant 0 : i32
          %dma_start3A_58 = tpu.memref_slice %arg10[%sub3A_55, %dma_start3A_56, %dma_start3A_57] : memref<2x128x64xf32, #tpu.memory_space<vmem>> -> memref<1x128x64xf32, #tpu.memory_space<vmem>>
          %dma_start3A_59 = tpu.memref_squeeze %dma_start3A_58 : memref<1x128x64xf32, #tpu.memory_space<vmem>> -> memref<128x64xf32, #tpu.memory_space<vmem>>
          %dma_start3A_60 = arith.constant 0 : i32
          %dma_start3A_61 = tpu.memref_slice %arg8[%add3A_54, %dma_start3A_60] : memref<157x128xi32, #tpu.memory_space<vmem>> -> memref<1x128xi32, #tpu.memory_space<vmem>>
          %dma_start3A_62 = tpu.memref_squeeze %dma_start3A_61 : memref<1x128xi32, #tpu.memory_space<vmem>> -> memref<128xi32, #tpu.memory_space<vmem>>
          %dma_start3A_63 = arith.constant 0 : i32
          %dma_start3A_64 = arith.constant 0 : i32
          %dma_start3A_65 = tpu.memref_slice %arg2[%dma_start3A_63, %dma_start3A_64] : memref<10000x64xf32, #tpu.memory_space<hbm>> -> memref<10000x64xf32, #tpu.memory_space<hbm>>
          tpu.enqueue_indirect_dma source(%dma_start3A_65 : memref<10000x64xf32, #tpu.memory_space<hbm>>) target(%dma_start3A_59 : memref<128x64xf32, #tpu.memory_space<vmem>>) offsets(%dma_start3A_62 : memref<128xi32, #tpu.memory_space<vmem>>) semaphore(%arg12 : memref<!tpu.dma_semaphore, #tpu.memory_space<semaphore_mem>>)
        } else {
        }
        "tpu.region"() ({
          %run_scoped3A = tpu.sem_alloc : memref<!tpu.dma_semaphore, #tpu.memory_space<semaphore_mem>>
          %dma_start3A_53 = arith.constant 0 : i32
          %dma_start3A_54 = arith.constant 0 : i32
          %dma_start3A_55 = tpu.memref_slice %arg10[%rem3A_38, %dma_start3A_53, %dma_start3A_54] : memref<2x128x64xf32, #tpu.memory_space<vmem>> -> memref<1x128x64xf32, #tpu.memory_space<vmem>>
          %dma_start3A_56 = tpu.memref_squeeze %dma_start3A_55 : memref<1x128x64xf32, #tpu.memory_space<vmem>> -> memref<128x64xf32, #tpu.memory_space<vmem>>
          %dma_start3A_57 = arith.constant 0 : i32
          %dma_start3A_58 = tpu.memref_slice %arg9[%scan3A_37, %dma_start3A_57] : memref<157x128xi32, #tpu.memory_space<vmem>> -> memref<1x128xi32, #tpu.memory_space<vmem>>
          %dma_start3A_59 = tpu.memref_squeeze %dma_start3A_58 : memref<1x128xi32, #tpu.memory_space<vmem>> -> memref<128xi32, #tpu.memory_space<vmem>>
          %dma_start3A_60 = arith.constant 0 : i32
          %dma_start3A_61 = arith.constant 0 : i32
          %dma_start3A_62 = tpu.memref_slice %arg11[%dma_start3A_60, %dma_start3A_61] : memref<10001x64xf32, #tpu.memory_space<vmem_shared>> -> memref<10001x64xf32, #tpu.memory_space<vmem_shared>>
          tpu.enqueue_indirect_dma source(%dma_start3A_56 : memref<128x64xf32, #tpu.memory_space<vmem>>) target(%dma_start3A_62 : memref<10001x64xf32, #tpu.memory_space<vmem_shared>>) offsets(%dma_start3A_59 : memref<128xi32, #tpu.memory_space<vmem>>) semaphore(%run_scoped3A : memref<!tpu.dma_semaphore, #tpu.memory_space<semaphore_mem>>) {add = true}
          %dma_wait3A_63 = arith.constant 0 : i32
          %dma_wait3A_64 = arith.constant 0 : i32
          %dma_wait3A_65 = tpu.memref_slice %arg10[%rem3A_38, %dma_wait3A_63, %dma_wait3A_64] : memref<2x128x64xf32, #tpu.memory_space<vmem>> -> memref<1x128x64xf32, #tpu.memory_space<vmem>>
          %dma_wait3A_66 = tpu.memref_squeeze %dma_wait3A_65 : memref<1x128x64xf32, #tpu.memory_space<vmem>> -> memref<128x64xf32, #tpu.memory_space<vmem>>
          %dma_wait3A_67 = arith.constant 0 : i32
          %dma_wait3A_68 = tpu.memref_slice %arg9[%scan3A_37, %dma_wait3A_67] : memref<157x128xi32, #tpu.memory_space<vmem>> -> memref<1x128xi32, #tpu.memory_space<vmem>>
          %dma_wait3A_69 = tpu.memref_squeeze %dma_wait3A_68 : memref<1x128xi32, #tpu.memory_space<vmem>> -> memref<128xi32, #tpu.memory_space<vmem>>
          %dma_wait3A_70 = arith.constant 0 : i32
          %dma_wait3A_71 = arith.constant 0 : i32
          %dma_wait3A_72 = tpu.memref_slice %arg11[%dma_wait3A_70, %dma_wait3A_71] : memref<10001x64xf32, #tpu.memory_space<vmem_shared>> -> memref<10001x64xf32, #tpu.memory_space<vmem_shared>>
          tpu.wait_indirect_dma semaphore(%run_scoped3A : memref<!tpu.dma_semaphore, #tpu.memory_space<semaphore_mem>>) src(%dma_wait3A_66 : memref<128x64xf32, #tpu.memory_space<vmem>>) dst(%dma_wait3A_72 : memref<10001x64xf32, #tpu.memory_space<vmem_shared>>)
          tpu.yield
        }) : () -> ()
      }
      %scan3A_28 = arith.constant 157 : i32
      %barrier3A_29 = arith.constant 0 : index
      tpu.barrier barrier_id(%barrier3A_29)
      %mul3A_30 = arith.constant 624 : i32
      %mul3A_31 = arith.muli %arg1, %mul3A_30 : i32
      "tpu.region"() ({
        %run_scoped3A = tpu.sem_alloc : memref<!tpu.dma_semaphore, #tpu.memory_space<semaphore_mem>>
        %dma_start3A_37 = arith.constant 0 : i32
        %dma_start3A_38 = tpu.memref_slice %arg6[%mul3A_31, %dma_start3A_37] : memref<10000x64xf32, #tpu.memory_space<hbm>> -> memref<624x64xf32, #tpu.memory_space<hbm>>
        %dma_start3A_39 = arith.constant 0 : i32
        %dma_start3A_40 = tpu.memref_slice %arg11[%mul3A_31, %dma_start3A_39] : memref<10001x64xf32, #tpu.memory_space<vmem_shared>> -> memref<624x64xf32, #tpu.memory_space<vmem_shared>>
        tpu.enqueue_dma source(%dma_start3A_40 : memref<624x64xf32, #tpu.memory_space<vmem_shared>>) target(%dma_start3A_38 : memref<624x64xf32, #tpu.memory_space<hbm>>) target_semaphore(%run_scoped3A : memref<!tpu.dma_semaphore, #tpu.memory_space<semaphore_mem>>)
        %dma_wait3A = arith.constant 0 : i32
        %dma_wait3A_41 = tpu.memref_slice %arg6[%mul3A_31, %dma_wait3A] : memref<10000x64xf32, #tpu.memory_space<hbm>> -> memref<624x64xf32, #tpu.memory_space<hbm>>
        %dma_wait3A_42 = arith.constant 0 : i32
        %dma_wait3A_43 = tpu.memref_slice %arg11[%mul3A_31, %dma_wait3A_42] : memref<10001x64xf32, #tpu.memory_space<vmem_shared>> -> memref<624x64xf32, #tpu.memory_space<vmem_shared>>
        tpu.wait_dma2 semaphore(%run_scoped3A : memref<!tpu.dma_semaphore, #tpu.memory_space<semaphore_mem>>) src(%dma_wait3A_43 : memref<624x64xf32, #tpu.memory_space<vmem_shared>>) dst(%dma_wait3A_41 : memref<624x64xf32, #tpu.memory_space<hbm>>)
        tpu.yield
      }) : () -> ()
      %eq3A_32 = arith.constant 15 : i32
      %eq3A_33 = arith.cmpi eq, %arg1, %eq3A_32 : i32
      %convert_element_type3A_34 = arith.extui %eq3A_33 : i1 to i32
      %cond3A_35 = arith.constant 0 : i32
      %cond3A_36 = arith.cmpi ne, %convert_element_type3A_34, %cond3A_35 : i32
      scf.if %cond3A_36 {
        "tpu.region"() ({
          %run_scoped3A = tpu.sem_alloc : memref<!tpu.dma_semaphore, #tpu.memory_space<semaphore_mem>>
          %dma_start3A_37 = arith.constant 9984 : i32
          %dma_start3A_38 = arith.constant 0 : i32
          %dma_start3A_39 = tpu.memref_slice %arg6[%dma_start3A_37, %dma_start3A_38] : memref<10000x64xf32, #tpu.memory_space<hbm>> -> memref<16x64xf32, #tpu.memory_space<hbm>>
          %dma_start3A_40 = arith.constant 9984 : i32
          %dma_start3A_41 = arith.constant 0 : i32
          %dma_start3A_42 = tpu.memref_slice %arg11[%dma_start3A_40, %dma_start3A_41] : memref<10001x64xf32, #tpu.memory_space<vmem_shared>> -> memref<16x64xf32, #tpu.memory_space<vmem_shared>>
          tpu.enqueue_dma source(%dma_start3A_42 : memref<16x64xf32, #tpu.memory_space<vmem_shared>>) target(%dma_start3A_39 : memref<16x64xf32, #tpu.memory_space<hbm>>) target_semaphore(%run_scoped3A : memref<!tpu.dma_semaphore, #tpu.memory_space<semaphore_mem>>)
          %dma_wait3A = arith.constant 9984 : i32
          %dma_wait3A_43 = arith.constant 0 : i32
          %dma_wait3A_44 = tpu.memref_slice %arg6[%dma_wait3A, %dma_wait3A_43] : memref<10000x64xf32, #tpu.memory_space<hbm>> -> memref<16x64xf32, #tpu.memory_space<hbm>>
          %dma_wait3A_45 = arith.constant 9984 : i32
          %dma_wait3A_46 = arith.constant 0 : i32
          %dma_wait3A_47 = tpu.memref_slice %arg11[%dma_wait3A_45, %dma_wait3A_46] : memref<10001x64xf32, #tpu.memory_space<vmem_shared>> -> memref<16x64xf32, #tpu.memory_space<vmem_shared>>
          tpu.wait_dma2 semaphore(%run_scoped3A : memref<!tpu.dma_semaphore, #tpu.memory_space<semaphore_mem>>) src(%dma_wait3A_47 : memref<16x64xf32, #tpu.memory_space<vmem_shared>>) dst(%dma_wait3A_44 : memref<16x64xf32, #tpu.memory_space<hbm>>)
          tpu.yield
        }) : () -> ()
      } else {
      }
    } else {
    }
    %eq3A_2 = arith.constant 1 : i32
    %eq3A_3 = arith.cmpi eq, %arg0, %eq3A_2 : i32
    %convert_element_type3A_4 = arith.extui %eq3A_3 : i1 to i32
    %cond3A_5 = arith.constant 0 : i32
    %cond3A_6 = arith.cmpi ne, %convert_element_type3A_4, %cond3A_5 : i32
    scf.if %cond3A_6 {
      %mul3A = arith.constant 624 : i32
      %mul3A_7 = arith.muli %arg1, %mul3A : i32
      "tpu.region"() ({
        %run_scoped3A = tpu.sem_alloc : memref<!tpu.dma_semaphore, #tpu.memory_space<semaphore_mem>>
        %dma_start3A_37 = arith.constant 0 : i32
        %dma_start3A_38 = tpu.memref_slice %arg11[%mul3A_7, %dma_start3A_37] : memref<10001x64xf32, #tpu.memory_space<vmem_shared>> -> memref<624x64xf32, #tpu.memory_space<vmem_shared>>
        %dma_start3A_39 = arith.constant 0 : i32
        %dma_start3A_40 = tpu.memref_slice %arg3[%mul3A_7, %dma_start3A_39] : memref<10000x64xf32, #tpu.memory_space<hbm>> -> memref<624x64xf32, #tpu.memory_space<hbm>>
        tpu.enqueue_dma source(%dma_start3A_40 : memref<624x64xf32, #tpu.memory_space<hbm>>) target(%dma_start3A_38 : memref<624x64xf32, #tpu.memory_space<vmem_shared>>) target_semaphore(%run_scoped3A : memref<!tpu.dma_semaphore, #tpu.memory_space<semaphore_mem>>)
        %dma_wait3A = arith.constant 0 : i32
        %dma_wait3A_41 = tpu.memref_slice %arg11[%mul3A_7, %dma_wait3A] : memref<10001x64xf32, #tpu.memory_space<vmem_shared>> -> memref<624x64xf32, #tpu.memory_space<vmem_shared>>
        %dma_wait3A_42 = arith.constant 0 : i32
        %dma_wait3A_43 = tpu.memref_slice %arg3[%mul3A_7, %dma_wait3A_42] : memref<10000x64xf32, #tpu.memory_space<hbm>> -> memref<624x64xf32, #tpu.memory_space<hbm>>
        tpu.wait_dma2 semaphore(%run_scoped3A : memref<!tpu.dma_semaphore, #tpu.memory_space<semaphore_mem>>) src(%dma_wait3A_43 : memref<624x64xf32, #tpu.memory_space<hbm>>) dst(%dma_wait3A_41 : memref<624x64xf32, #tpu.memory_space<vmem_shared>>)
        tpu.yield
      }) : () -> ()
      %eq3A_8 = arith.constant 15 : i32
      %eq3A_9 = arith.cmpi eq, %arg1, %eq3A_8 : i32
      %convert_element_type3A_10 = arith.extui %eq3A_9 : i1 to i32
      %cond3A_11 = arith.constant 0 : i32
      %cond3A_12 = arith.cmpi ne, %convert_element_type3A_10, %cond3A_11 : i32
      scf.if %cond3A_12 {
        "tpu.region"() ({
          %run_scoped3A = tpu.sem_alloc : memref<!tpu.dma_semaphore, #tpu.memory_space<semaphore_mem>>
          %dma_start3A_37 = arith.constant 9984 : i32
          %dma_start3A_38 = arith.constant 0 : i32
          %dma_start3A_39 = tpu.memref_slice %arg11[%dma_start3A_37, %dma_start3A_38] : memref<10001x64xf32, #tpu.memory_space<vmem_shared>> -> memref<16x64xf32, #tpu.memory_space<vmem_shared>>
          %dma_start3A_40 = arith.constant 9984 : i32
          %dma_start3A_41 = arith.constant 0 : i32
          %dma_start3A_42 = tpu.memref_slice %arg3[%dma_start3A_40, %dma_start3A_41] : memref<10000x64xf32, #tpu.memory_space<hbm>> -> memref<16x64xf32, #tpu.memory_space<hbm>>
          tpu.enqueue_dma source(%dma_start3A_42 : memref<16x64xf32, #tpu.memory_space<hbm>>) target(%dma_start3A_39 : memref<16x64xf32, #tpu.memory_space<vmem_shared>>) target_semaphore(%run_scoped3A : memref<!tpu.dma_semaphore, #tpu.memory_space<semaphore_mem>>)
          %dma_wait3A = arith.constant 9984 : i32
          %dma_wait3A_43 = arith.constant 0 : i32
          %dma_wait3A_44 = tpu.memref_slice %arg11[%dma_wait3A, %dma_wait3A_43] : memref<10001x64xf32, #tpu.memory_space<vmem_shared>> -> memref<16x64xf32, #tpu.memory_space<vmem_shared>>
          %dma_wait3A_45 = arith.constant 9984 : i32
          %dma_wait3A_46 = arith.constant 0 : i32
          %dma_wait3A_47 = tpu.memref_slice %arg3[%dma_wait3A_45, %dma_wait3A_46] : memref<10000x64xf32, #tpu.memory_space<hbm>> -> memref<16x64xf32, #tpu.memory_space<hbm>>
          tpu.wait_dma2 semaphore(%run_scoped3A : memref<!tpu.dma_semaphore, #tpu.memory_space<semaphore_mem>>) src(%dma_wait3A_47 : memref<16x64xf32, #tpu.memory_space<hbm>>) dst(%dma_wait3A_44 : memref<16x64xf32, #tpu.memory_space<vmem_shared>>)
          tpu.yield
        }) : () -> ()
      } else {
      }
      "tpu.region"() ({
        %run_scoped3A = tpu.sem_alloc : memref<!tpu.dma_semaphore, #tpu.memory_space<semaphore_mem>>
        %dma_start3A_37 = arith.constant 0 : i32
        %dma_start3A_38 = arith.constant 0 : i32
        %dma_start3A_39 = tpu.memref_slice %arg4[%arg1, %dma_start3A_37, %dma_start3A_38] : memref<16x157x128xi32, #tpu.memory_space<hbm>> -> memref<1x157x128xi32, #tpu.memory_space<hbm>>
        %dma_start3A_40 = tpu.memref_squeeze %dma_start3A_39 : memref<1x157x128xi32, #tpu.memory_space<hbm>> -> memref<157x128xi32, #tpu.memory_space<hbm>>
        %dma_start3A_41 = arith.constant 0 : i32
        %dma_start3A_42 = arith.constant 0 : i32
        %dma_start3A_43 = tpu.memref_slice %arg4[%arg1, %dma_start3A_41, %dma_start3A_42] : memref<16x157x128xi32, #tpu.memory_space<hbm>> -> memref<1x157x128xi32, #tpu.memory_space<hbm>>
        %dma_start3A_44 = tpu.memref_squeeze %dma_start3A_43 : memref<1x157x128xi32, #tpu.memory_space<hbm>> -> memref<157x128xi32, #tpu.memory_space<hbm>>
        tpu.enqueue_dma source(%dma_start3A_44 : memref<157x128xi32, #tpu.memory_space<hbm>>) target(%arg8 : memref<157x128xi32, #tpu.memory_space<vmem>>) target_semaphore(%run_scoped3A : memref<!tpu.dma_semaphore, #tpu.memory_space<semaphore_mem>>)
        %dma_wait3A = arith.constant 0 : i32
        %dma_wait3A_45 = arith.constant 0 : i32
        %dma_wait3A_46 = tpu.memref_slice %arg4[%arg1, %dma_wait3A, %dma_wait3A_45] : memref<16x157x128xi32, #tpu.memory_space<hbm>> -> memref<1x157x128xi32, #tpu.memory_space<hbm>>
        %dma_wait3A_47 = tpu.memref_squeeze %dma_wait3A_46 : memref<1x157x128xi32, #tpu.memory_space<hbm>> -> memref<157x128xi32, #tpu.memory_space<hbm>>
        %dma_wait3A_48 = arith.constant 0 : i32
        %dma_wait3A_49 = arith.constant 0 : i32
        %dma_wait3A_50 = tpu.memref_slice %arg4[%arg1, %dma_wait3A_48, %dma_wait3A_49] : memref<16x157x128xi32, #tpu.memory_space<hbm>> -> memref<1x157x128xi32, #tpu.memory_space<hbm>>
        %dma_wait3A_51 = tpu.memref_squeeze %dma_wait3A_50 : memref<1x157x128xi32, #tpu.memory_space<hbm>> -> memref<157x128xi32, #tpu.memory_space<hbm>>
        tpu.wait_dma2 semaphore(%run_scoped3A : memref<!tpu.dma_semaphore, #tpu.memory_space<semaphore_mem>>) src(%dma_wait3A_51 : memref<157x128xi32, #tpu.memory_space<hbm>>) dst(%arg8 : memref<157x128xi32, #tpu.memory_space<vmem>>)
        tpu.yield
      }) : () -> ()
      "tpu.region"() ({
        %run_scoped3A = tpu.sem_alloc : memref<!tpu.dma_semaphore, #tpu.memory_space<semaphore_mem>>
        %dma_start3A_37 = arith.constant 0 : i32
        %dma_start3A_38 = arith.constant 0 : i32
        %dma_start3A_39 = tpu.memref_slice %arg5[%arg1, %dma_start3A_37, %dma_start3A_38] : memref<16x157x128xi32, #tpu.memory_space<hbm>> -> memref<1x157x128xi32, #tpu.memory_space<hbm>>
        %dma_start3A_40 = tpu.memref_squeeze %dma_start3A_39 : memref<1x157x128xi32, #tpu.memory_space<hbm>> -> memref<157x128xi32, #tpu.memory_space<hbm>>
        %dma_start3A_41 = arith.constant 0 : i32
        %dma_start3A_42 = arith.constant 0 : i32
        %dma_start3A_43 = tpu.memref_slice %arg5[%arg1, %dma_start3A_41, %dma_start3A_42] : memref<16x157x128xi32, #tpu.memory_space<hbm>> -> memref<1x157x128xi32, #tpu.memory_space<hbm>>
        %dma_start3A_44 = tpu.memref_squeeze %dma_start3A_43 : memref<1x157x128xi32, #tpu.memory_space<hbm>> -> memref<157x128xi32, #tpu.memory_space<hbm>>
        tpu.enqueue_dma source(%dma_start3A_44 : memref<157x128xi32, #tpu.memory_space<hbm>>) target(%arg9 : memref<157x128xi32, #tpu.memory_space<vmem>>) target_semaphore(%run_scoped3A : memref<!tpu.dma_semaphore, #tpu.memory_space<semaphore_mem>>)
        %dma_wait3A = arith.constant 0 : i32
        %dma_wait3A_45 = arith.constant 0 : i32
        %dma_wait3A_46 = tpu.memref_slice %arg5[%arg1, %dma_wait3A, %dma_wait3A_45] : memref<16x157x128xi32, #tpu.memory_space<hbm>> -> memref<1x157x128xi32, #tpu.memory_space<hbm>>
        %dma_wait3A_47 = tpu.memref_squeeze %dma_wait3A_46 : memref<1x157x128xi32, #tpu.memory_space<hbm>> -> memref<157x128xi32, #tpu.memory_space<hbm>>
        %dma_wait3A_48 = arith.constant 0 : i32
        %dma_wait3A_49 = arith.constant 0 : i32
        %dma_wait3A_50 = tpu.memref_slice %arg5[%arg1, %dma_wait3A_48, %dma_wait3A_49] : memref<16x157x128xi32, #tpu.memory_space<hbm>> -> memref<1x157x128xi32, #tpu.memory_space<hbm>>
        %dma_wait3A_51 = tpu.memref_squeeze %dma_wait3A_50 : memref<1x157x128xi32, #tpu.memory_space<hbm>> -> memref<157x128xi32, #tpu.memory_space<hbm>>
        tpu.wait_dma2 semaphore(%run_scoped3A : memref<!tpu.dma_semaphore, #tpu.memory_space<semaphore_mem>>) src(%dma_wait3A_51 : memref<157x128xi32, #tpu.memory_space<hbm>>) dst(%arg9 : memref<157x128xi32, #tpu.memory_space<vmem>>)
        tpu.yield
      }) : () -> ()
      %barrier3A = arith.constant 0 : index
      tpu.barrier barrier_id(%barrier3A)
      %dma_start3A = arith.constant 0 : i32
      %dma_start3A_13 = arith.constant 0 : i32
      %dma_start3A_14 = arith.constant 0 : i32
      %dma_start3A_15 = arith.constant 0 : i32
      %dma_start3A_16 = tpu.memref_slice %arg10[%dma_start3A_13, %dma_start3A_14, %dma_start3A_15] : memref<2x128x64xf32, #tpu.memory_space<vmem>> -> memref<1x128x64xf32, #tpu.memory_space<vmem>>
      %dma_start3A_17 = tpu.memref_squeeze %dma_start3A_16 : memref<1x128x64xf32, #tpu.memory_space<vmem>> -> memref<128x64xf32, #tpu.memory_space<vmem>>
      %dma_start3A_18 = arith.constant 0 : i32
      %dma_start3A_19 = tpu.memref_slice %arg8[%dma_start3A, %dma_start3A_18] : memref<157x128xi32, #tpu.memory_space<vmem>> -> memref<1x128xi32, #tpu.memory_space<vmem>>
      %dma_start3A_20 = tpu.memref_squeeze %dma_start3A_19 : memref<1x128xi32, #tpu.memory_space<vmem>> -> memref<128xi32, #tpu.memory_space<vmem>>
      %dma_start3A_21 = arith.constant 0 : i32
      %dma_start3A_22 = arith.constant 0 : i32
      %dma_start3A_23 = tpu.memref_slice %arg3[%dma_start3A_21, %dma_start3A_22] : memref<10000x64xf32, #tpu.memory_space<hbm>> -> memref<10000x64xf32, #tpu.memory_space<hbm>>
      tpu.enqueue_indirect_dma source(%dma_start3A_23 : memref<10000x64xf32, #tpu.memory_space<hbm>>) target(%dma_start3A_17 : memref<128x64xf32, #tpu.memory_space<vmem>>) offsets(%dma_start3A_20 : memref<128xi32, #tpu.memory_space<vmem>>) semaphore(%arg12 : memref<!tpu.dma_semaphore, #tpu.memory_space<semaphore_mem>>)
      %scan3A = arith.constant 0 : i32
      %scan3A_24 = arith.constant 0 : i32
      %scan3A_25 = arith.constant 157 : i32
      %scan3A_26 = arith.addi %scan3A_24, %scan3A_25 : i32
      %scan3A_27 = arith.constant 1 : i32
      scf.for %scan3A_37 = %scan3A_24 to %scan3A_26 step %scan3A_27  : i32 {
        %rem3A = arith.constant 2 : i32
        %rem3A_38 = arith.remsi %scan3A_37, %rem3A : i32
        %dma_wait3A = arith.constant 0 : i32
        %dma_wait3A_39 = arith.constant 0 : i32
        %dma_wait3A_40 = tpu.memref_slice %arg10[%rem3A_38, %dma_wait3A, %dma_wait3A_39] : memref<2x128x64xf32, #tpu.memory_space<vmem>> -> memref<1x128x64xf32, #tpu.memory_space<vmem>>
        %dma_wait3A_41 = tpu.memref_squeeze %dma_wait3A_40 : memref<1x128x64xf32, #tpu.memory_space<vmem>> -> memref<128x64xf32, #tpu.memory_space<vmem>>
        %dma_wait3A_42 = arith.constant 0 : i32
        %dma_wait3A_43 = tpu.memref_slice %arg8[%scan3A_37, %dma_wait3A_42] : memref<157x128xi32, #tpu.memory_space<vmem>> -> memref<1x128xi32, #tpu.memory_space<vmem>>
        %dma_wait3A_44 = tpu.memref_squeeze %dma_wait3A_43 : memref<1x128xi32, #tpu.memory_space<vmem>> -> memref<128xi32, #tpu.memory_space<vmem>>
        %dma_wait3A_45 = arith.constant 0 : i32
        %dma_wait3A_46 = arith.constant 0 : i32
        %dma_wait3A_47 = tpu.memref_slice %arg3[%dma_wait3A_45, %dma_wait3A_46] : memref<10000x64xf32, #tpu.memory_space<hbm>> -> memref<10000x64xf32, #tpu.memory_space<hbm>>
        tpu.wait_indirect_dma semaphore(%arg12 : memref<!tpu.dma_semaphore, #tpu.memory_space<semaphore_mem>>) src(%dma_wait3A_47 : memref<10000x64xf32, #tpu.memory_space<hbm>>) dst(%dma_wait3A_41 : memref<128x64xf32, #tpu.memory_space<vmem>>)
        %add3A = arith.constant 1 : i32
        %add3A_48 = arith.addi %scan3A_37, %add3A : i32
        %lt3A = arith.constant 157 : i32
        %lt3A_49 = arith.cmpi slt, %add3A_48, %lt3A : i32
        %convert_element_type3A_50 = arith.extui %lt3A_49 : i1 to i32
        %cond3A_51 = arith.constant 0 : i32
        %cond3A_52 = arith.cmpi ne, %convert_element_type3A_50, %cond3A_51 : i32
        scf.if %cond3A_52 {
          %add3A_53 = arith.constant 1 : i32
          %add3A_54 = arith.addi %scan3A_37, %add3A_53 : i32
          %sub3A = arith.constant 1 : i32
          %sub3A_55 = arith.subi %sub3A, %rem3A_38 : i32
          %dma_start3A_56 = arith.constant 0 : i32
          %dma_start3A_57 = arith.constant 0 : i32
          %dma_start3A_58 = tpu.memref_slice %arg10[%sub3A_55, %dma_start3A_56, %dma_start3A_57] : memref<2x128x64xf32, #tpu.memory_space<vmem>> -> memref<1x128x64xf32, #tpu.memory_space<vmem>>
          %dma_start3A_59 = tpu.memref_squeeze %dma_start3A_58 : memref<1x128x64xf32, #tpu.memory_space<vmem>> -> memref<128x64xf32, #tpu.memory_space<vmem>>
          %dma_start3A_60 = arith.constant 0 : i32
          %dma_start3A_61 = tpu.memref_slice %arg8[%add3A_54, %dma_start3A_60] : memref<157x128xi32, #tpu.memory_space<vmem>> -> memref<1x128xi32, #tpu.memory_space<vmem>>
          %dma_start3A_62 = tpu.memref_squeeze %dma_start3A_61 : memref<1x128xi32, #tpu.memory_space<vmem>> -> memref<128xi32, #tpu.memory_space<vmem>>
          %dma_start3A_63 = arith.constant 0 : i32
          %dma_start3A_64 = arith.constant 0 : i32
          %dma_start3A_65 = tpu.memref_slice %arg3[%dma_start3A_63, %dma_start3A_64] : memref<10000x64xf32, #tpu.memory_space<hbm>> -> memref<10000x64xf32, #tpu.memory_space<hbm>>
          tpu.enqueue_indirect_dma source(%dma_start3A_65 : memref<10000x64xf32, #tpu.memory_space<hbm>>) target(%dma_start3A_59 : memref<128x64xf32, #tpu.memory_space<vmem>>) offsets(%dma_start3A_62 : memref<128xi32, #tpu.memory_space<vmem>>) semaphore(%arg12 : memref<!tpu.dma_semaphore, #tpu.memory_space<semaphore_mem>>)
        } else {
        }
        "tpu.region"() ({
          %run_scoped3A = tpu.sem_alloc : memref<!tpu.dma_semaphore, #tpu.memory_space<semaphore_mem>>
          %dma_start3A_53 = arith.constant 0 : i32
          %dma_start3A_54 = arith.constant 0 : i32
          %dma_start3A_55 = tpu.memref_slice %arg10[%rem3A_38, %dma_start3A_53, %dma_start3A_54] : memref<2x128x64xf32, #tpu.memory_space<vmem>> -> memref<1x128x64xf32, #tpu.memory_space<vmem>>
          %dma_start3A_56 = tpu.memref_squeeze %dma_start3A_55 : memref<1x128x64xf32, #tpu.memory_space<vmem>> -> memref<128x64xf32, #tpu.memory_space<vmem>>
          %dma_start3A_57 = arith.constant 0 : i32
          %dma_start3A_58 = tpu.memref_slice %arg9[%scan3A_37, %dma_start3A_57] : memref<157x128xi32, #tpu.memory_space<vmem>> -> memref<1x128xi32, #tpu.memory_space<vmem>>
          %dma_start3A_59 = tpu.memref_squeeze %dma_start3A_58 : memref<1x128xi32, #tpu.memory_space<vmem>> -> memref<128xi32, #tpu.memory_space<vmem>>
          %dma_start3A_60 = arith.constant 0 : i32
          %dma_start3A_61 = arith.constant 0 : i32
          %dma_start3A_62 = tpu.memref_slice %arg11[%dma_start3A_60, %dma_start3A_61] : memref<10001x64xf32, #tpu.memory_space<vmem_shared>> -> memref<10001x64xf32, #tpu.memory_space<vmem_shared>>
          tpu.enqueue_indirect_dma source(%dma_start3A_56 : memref<128x64xf32, #tpu.memory_space<vmem>>) target(%dma_start3A_62 : memref<10001x64xf32, #tpu.memory_space<vmem_shared>>) offsets(%dma_start3A_59 : memref<128xi32, #tpu.memory_space<vmem>>) semaphore(%run_scoped3A : memref<!tpu.dma_semaphore, #tpu.memory_space<semaphore_mem>>) {add = true}
          %dma_wait3A_63 = arith.constant 0 : i32
          %dma_wait3A_64 = arith.constant 0 : i32
          %dma_wait3A_65 = tpu.memref_slice %arg10[%rem3A_38, %dma_wait3A_63, %dma_wait3A_64] : memref<2x128x64xf32, #tpu.memory_space<vmem>> -> memref<1x128x64xf32, #tpu.memory_space<vmem>>
          %dma_wait3A_66 = tpu.memref_squeeze %dma_wait3A_65 : memref<1x128x64xf32, #tpu.memory_space<vmem>> -> memref<128x64xf32, #tpu.memory_space<vmem>>
          %dma_wait3A_67 = arith.constant 0 : i32
          %dma_wait3A_68 = tpu.memref_slice %arg9[%scan3A_37, %dma_wait3A_67] : memref<157x128xi32, #tpu.memory_space<vmem>> -> memref<1x128xi32, #tpu.memory_space<vmem>>
          %dma_wait3A_69 = tpu.memref_squeeze %dma_wait3A_68 : memref<1x128xi32, #tpu.memory_space<vmem>> -> memref<128xi32, #tpu.memory_space<vmem>>
          %dma_wait3A_70 = arith.constant 0 : i32
          %dma_wait3A_71 = arith.constant 0 : i32
          %dma_wait3A_72 = tpu.memref_slice %arg11[%dma_wait3A_70, %dma_wait3A_71] : memref<10001x64xf32, #tpu.memory_space<vmem_shared>> -> memref<10001x64xf32, #tpu.memory_space<vmem_shared>>
          tpu.wait_indirect_dma semaphore(%run_scoped3A : memref<!tpu.dma_semaphore, #tpu.memory_space<semaphore_mem>>) src(%dma_wait3A_66 : memref<128x64xf32, #tpu.memory_space<vmem>>) dst(%dma_wait3A_72 : memref<10001x64xf32, #tpu.memory_space<vmem_shared>>)
          tpu.yield
        }) : () -> ()
      }
      %scan3A_28 = arith.constant 157 : i32
      %barrier3A_29 = arith.constant 0 : index
      tpu.barrier barrier_id(%barrier3A_29)
      %mul3A_30 = arith.constant 624 : i32
      %mul3A_31 = arith.muli %arg1, %mul3A_30 : i32
      "tpu.region"() ({
        %run_scoped3A = tpu.sem_alloc : memref<!tpu.dma_semaphore, #tpu.memory_space<semaphore_mem>>
        %dma_start3A_37 = arith.constant 0 : i32
        %dma_start3A_38 = tpu.memref_slice %arg7[%mul3A_31, %dma_start3A_37] : memref<10000x64xf32, #tpu.memory_space<hbm>> -> memref<624x64xf32, #tpu.memory_space<hbm>>
        %dma_start3A_39 = arith.constant 0 : i32
        %dma_start3A_40 = tpu.memref_slice %arg11[%mul3A_31, %dma_start3A_39] : memref<10001x64xf32, #tpu.memory_space<vmem_shared>> -> memref<624x64xf32, #tpu.memory_space<vmem_shared>>
        tpu.enqueue_dma source(%dma_start3A_40 : memref<624x64xf32, #tpu.memory_space<vmem_shared>>) target(%dma_start3A_38 : memref<624x64xf32, #tpu.memory_space<hbm>>) target_semaphore(%run_scoped3A : memref<!tpu.dma_semaphore, #tpu.memory_space<semaphore_mem>>)
        %dma_wait3A = arith.constant 0 : i32
        %dma_wait3A_41 = tpu.memref_slice %arg7[%mul3A_31, %dma_wait3A] : memref<10000x64xf32, #tpu.memory_space<hbm>> -> memref<624x64xf32, #tpu.memory_space<hbm>>
        %dma_wait3A_42 = arith.constant 0 : i32
        %dma_wait3A_43 = tpu.memref_slice %arg11[%mul3A_31, %dma_wait3A_42] : memref<10001x64xf32, #tpu.memory_space<vmem_shared>> -> memref<624x64xf32, #tpu.memory_space<vmem_shared>>
        tpu.wait_dma2 semaphore(%run_scoped3A : memref<!tpu.dma_semaphore, #tpu.memory_space<semaphore_mem>>) src(%dma_wait3A_43 : memref<624x64xf32, #tpu.memory_space<vmem_shared>>) dst(%dma_wait3A_41 : memref<624x64xf32, #tpu.memory_space<hbm>>)
        tpu.yield
      }) : () -> ()
      %eq3A_32 = arith.constant 15 : i32
      %eq3A_33 = arith.cmpi eq, %arg1, %eq3A_32 : i32
      %convert_element_type3A_34 = arith.extui %eq3A_33 : i1 to i32
      %cond3A_35 = arith.constant 0 : i32
      %cond3A_36 = arith.cmpi ne, %convert_element_type3A_34, %cond3A_35 : i32
      scf.if %cond3A_36 {
        "tpu.region"() ({
          %run_scoped3A = tpu.sem_alloc : memref<!tpu.dma_semaphore, #tpu.memory_space<semaphore_mem>>
          %dma_start3A_37 = arith.constant 9984 : i32
          %dma_start3A_38 = arith.constant 0 : i32
          %dma_start3A_39 = tpu.memref_slice %arg7[%dma_start3A_37, %dma_start3A_38] : memref<10000x64xf32, #tpu.memory_space<hbm>> -> memref<16x64xf32, #tpu.memory_space<hbm>>
          %dma_start3A_40 = arith.constant 9984 : i32
          %dma_start3A_41 = arith.constant 0 : i32
          %dma_start3A_42 = tpu.memref_slice %arg11[%dma_start3A_40, %dma_start3A_41] : memref<10001x64xf32, #tpu.memory_space<vmem_shared>> -> memref<16x64xf32, #tpu.memory_space<vmem_shared>>
          tpu.enqueue_dma source(%dma_start3A_42 : memref<16x64xf32, #tpu.memory_space<vmem_shared>>) target(%dma_start3A_39 : memref<16x64xf32, #tpu.memory_space<hbm>>) target_semaphore(%run_scoped3A : memref<!tpu.dma_semaphore, #tpu.memory_space<semaphore_mem>>)
          %dma_wait3A = arith.constant 9984 : i32
          %dma_wait3A_43 = arith.constant 0 : i32
          %dma_wait3A_44 = tpu.memref_slice %arg7[%dma_wait3A, %dma_wait3A_43] : memref<10000x64xf32, #tpu.memory_space<hbm>> -> memref<16x64xf32, #tpu.memory_space<hbm>>
          %dma_wait3A_45 = arith.constant 9984 : i32
          %dma_wait3A_46 = arith.constant 0 : i32
          %dma_wait3A_47 = tpu.memref_slice %arg11[%dma_wait3A_45, %dma_wait3A_46] : memref<10001x64xf32, #tpu.memory_space<vmem_shared>> -> memref<16x64xf32, #tpu.memory_space<vmem_shared>>
          tpu.wait_dma2 semaphore(%run_scoped3A : memref<!tpu.dma_semaphore, #tpu.memory_space<semaphore_mem>>) src(%dma_wait3A_47 : memref<16x64xf32, #tpu.memory_space<vmem_shared>>) dst(%dma_wait3A_44 : memref<16x64xf32, #tpu.memory_space<hbm>>)
          tpu.yield
        }) : () -> ()
      } else {
      }
    } else {
    }
    return
  }
}

</mosaic_0001>

<sc_bundles>
// kernel: kernel.3.cloned.1.call-start
scs
__scs_entry_jumppad:
0x0: {  	(pc) =	sbr.rel $0x88, $3  }
0x1: {  	(tag) =	ssettag $0x0;
	lr =	simm.s32 $0x1  }
0x2: {  	[smem:$0x3F9F] =	sst lr;
	_ =	strace $0xD0000000  }
0x3: {  	_ = 	snop  }
0x4: {  	_ = 	snop  }
0x5: {  	_ = 	snop  }
0x6: {  	_ = 	snop  }
0x7: {  	_ = 	snop  }
__scs_overlays_trampoline_lowered:
0x8: {  	[smem:$0x3FAE] =	sst s0  }
0x9: {  	[smem:$0x3FAF] =	sst s1  }
0xa: {  	[smem:$0x3FB0] =	sst s2  }
0xb: {  	[smem:$0x3FB1] =	sst s3  }
0xc: {  	[smem:$0x3FB2] =	sst s4  }
0xd: {  	[smem:$0x3FB3] =	sst s5  }
0xe: {  	[smem:$0x3FB4] =	sst s6  }
0xf: {  	[smem:$0x3FB5] =	sst s7  }
0x10: {  	[smem:$0x3FB6] =	sst s8  }
0x11: {  	[smem:$0x3FB7] =	sst s9;
	s0 =	simm.s32 @!p0 $0x0  }
0x12: {  	s1 =	sld [smem:$0x3F9D];
	s0 =	simm.s32 @p0 $0x1  }
0x13: {  	[smem:$0x3FB8] =	sst s0;
	s0 =	simm.s32 @!p1 $0x0  }
0x14: {  	s2 =	sld [smem:$0x3F9C];
	s0 =	simm.s32 @p1 $0x1  }
0x15: {  	[smem:$0x3FB9] =	sst s0;
	s0 =	simm.s32 @!p2 $0x0  }
0x16: {  	s3 =	sld [smem:$0x3FDB];
	s0 =	simm.s32 @p2 $0x1  }
0x17: {  	s4 =	simm.s32 $0x1BF5;
	[smem:$0x3FBB] =	sst s0  }
0x18: {  	s0 =	sld [smem:$0x3F9E];
	_ =	swait.ge [sflag:s4], $0x0  }
0x19: {  	s7 =	sld [smem:$0x3F9F]  }
0x1a: {  	s8 =	sadd.s32 $0xFFFFE003, lr  }
0x1b: {  	s9 =	sadd.s32 $0xFFFFFEF7, lr;
	s5 =	simm.s32 $0xFFFFFFFF;
	p2 =	slt.u32 s8, $0xFFFFF086  }
0x1c: {  	p1 =	slt.u32 s9, $0xF7A;
	s5 =	simm.s32 @!p2 $0x0  }
0x1d: {  	s5 =	simm.s32 @p1 $0x1;
	p0 =	seq.s32 s7, s2  }
0x1e: {  	s7 =	smul.u32 @!p0 $0xF7A, s2;
	p2 =	seq.s32 @!p0 s5, $0x0  }
0x1f: {  	s9 =	smul.u32 $0xF7A, s1;
	s8 =	simm.s32 @!p0 $0x1BF5;
	p2 =	por !p2, p0  }
0x20: {  	[sflag:s8] =	ssyncset.s32 @!p0 $0xFFFFF086;
	s6 =	sadd.s32 @!p0 s3, s7;
	s7 =	simm.s32 @!p0 $0x108  }
0x21: {  	s3 =	sadd.s32 s3, s9;
	s6 =	sadd.s32 @!p0 $0x88, s6;
	s7 =	simm.s32 @p2 $0x1082  }
0x22: {  	[simem:s7], [sflag:s8] =	dma.local @!p0 [hbm:s6], $0xF7A  }
0x23: {  	s9 =	sor.u32 $0xD0000000, s2;
	s6 =	simm.s32 $0x108;
	_ =	swait.ge @!p0 [sflag:s8], $0x0  }
0x24: {  	s3 =	sadd.s32 $0x88, s3;
	s6 =	simm.s32 @!p1 $0x1082;
	[sflag:s4] =	ssyncset.s32 $0xFFFFF086  }
0x25: {  	[simem:s6], [sflag:s4] =	dma.local [hbm:s3], $0xF7A  }
0x26: {  	[smem:$0x3F9F] =	sst s1;
	(tag) =	ssettag s2;
	_ =	strace s9  }
0x27: {  	s1 =	sld [smem:$0x3FAF]  }
0x28: {  	s2 =	sld [smem:$0x3FB0]  }
0x29: {  	s4 =	sld [smem:$0x3FB2]  }
0x2a: {  	p0 =	seq.s32 s5, $0x0;
	s5 =	sld [smem:$0x3FB3]  }
0x2b: {  	s6 =	sld [smem:$0x3FB4]  }
0x2c: {  	s7 =	sld [smem:$0x3FB5]  }
0x2d: {  	s3 =	simm.s32 $0x108;
	s8 =	sld [smem:$0x3FB6]  }
0x2e: {  	s3 =	simm.s32 @!p0 $0x1082;
	s9 =	sld [smem:$0x3FB7]  }
0x2f: {  	lr =	sadd.s32 s0, s3;
	s0 =	sld [smem:$0x3FAE]  }
0x30: {  	s3 =	sld [smem:$0x3FB1]  }
0x31: {  	[smem:$0x3FBA] =	sst s10  }
0x32: {  	s10 =	sld [smem:$0x3FB8];
	_ =	sdelay $0x3  }
0x33: {  	p0 =	seq.s32 s10, $0x1;
	s10 =	sld [smem:$0x3FBA];
	_ =	sdelay $0x3  }
0x34: {  	[smem:$0x3FBA] =	sst s10  }
0x35: {  	s10 =	sld [smem:$0x3FB9];
	_ =	sdelay $0x3  }
0x36: {  	p1 =	seq.s32 s10, $0x1;
	s10 =	sld [smem:$0x3FBA];
	_ =	sdelay $0x3  }
0x37: {  	[smem:$0x3FBA] =	sst s10  }
0x38: {  	s10 =	sld [smem:$0x3FBB]  }
0x39: {  	_ = 	snop;
	(pc) =	sbr.ind lr, $3  }
0x3a: {  	_ = 	snop  }
0x3b: {  	_ = 	snop  }
0x3c: {  	p2 =	seq.s32 s10, $0x1;
	s10 =	sld [smem:$0x3FBA]  }
0x3d: {  	_ =	shalt  }
0x3e: {  	_ =	shalt  }
0x3f: {  	_ =	shalt  }
0x40: {  	_ =	shalt  }
0x41: {  	_ =	shalt  }
0x42: {  	_ =	shalt  }
0x43: {  	_ =	shalt  }
0x44: {  	_ =	shalt  }
0x45: {  	_ =	shalt  }
0x46: {  	_ =	shalt  }
0x47: {  	_ =	shalt  }
0x48: {  	_ =	shalt  }
0x49: {  	_ =	shalt  }
0x4a: {  	_ =	shalt  }
0x4b: {  	_ =	shalt  }
0x4c: {  	_ =	shalt  }
0x4d: {  	_ =	shalt  }
0x4e: {  	_ =	shalt  }
0x4f: {  	_ =	shalt  }
0x50: {  	_ =	shalt  }
0x51: {  	_ =	shalt  }
0x52: {  	_ =	shalt  }
0x53: {  	_ =	shalt  }
0x54: {  	_ =	shalt  }
0x55: {  	_ =	shalt  }
0x56: {  	_ =	shalt  }
0x57: {  	_ =	shalt  }
0x58: {  	_ =	shalt  }
0x59: {  	_ =	shalt  }
0x5a: {  	_ =	shalt  }
0x5b: {  	_ =	shalt  }
0x5c: {  	_ =	shalt  }
0x5d: {  	_ =	shalt  }
0x5e: {  	_ =	shalt  }
0x5f: {  	_ =	shalt  }
0x60: {  	_ =	shalt  }
0x61: {  	_ =	shalt  }
0x62: {  	_ =	shalt  }
0x63: {  	_ =	shalt  }
0x64: {  	_ =	shalt  }
0x65: {  	_ =	shalt  }
0x66: {  	_ =	shalt  }
0x67: {  	_ =	shalt  }
0x68: {  	_ =	shalt  }
0x69: {  	_ =	shalt  }
0x6a: {  	_ =	shalt  }
0x6b: {  	_ =	shalt  }
0x6c: {  	_ =	shalt  }
0x6d: {  	_ =	shalt  }
0x6e: {  	_ =	shalt  }
0x6f: {  	_ =	shalt  }
0x70: {  	_ =	shalt  }
0x71: {  	_ =	shalt  }
0x72: {  	_ =	shalt  }
0x73: {  	_ =	shalt  }
0x74: {  	_ =	shalt  }
0x75: {  	_ =	shalt  }
0x76: {  	_ =	shalt  }
0x77: {  	_ =	shalt  }
0x78: {  	_ =	shalt  }
0x79: {  	_ =	shalt  }
0x7a: {  	_ =	shalt  }
0x7b: {  	_ =	shalt  }
0x7c: {  	_ =	shalt  }
0x7d: {  	_ =	shalt  }
0x7e: {  	_ =	shalt  }
0x7f: {  	_ =	shalt  }
0x80: {  	_ =	shalt  }
0x81: {  	_ =	shalt  }
0x82: {  	_ =	shalt  }
0x83: {  	_ =	shalt  }
0x84: {  	_ =	shalt  }
0x85: {  	_ =	shalt  }
0x86: {  	_ =	shalt  }
0x87: {  	_ =	shalt  }
.Lfunc_end0:
.L_simem_size_0:
called_computation_lowered:
.L_overlay_start_0:
0x88: {  	s2 =	sld [smem:$0x3FD9]  }
0x89: {  	s3 =	sld [smem:$0x3FFE];
	_ =	sdelay $0x1  }
0x8a: {  	s1 =	srdreg.scid  }
0x8b: {  	s0 =	sand.u32 $0x1, s1  }
0x8c: {  	s17 =	sshll.u32 s0, $0xA;
	s2 =	sadd.s32 s3, s2  }
0x8d: {  	s2 =	sadd.s32 s2, s17  }
0x8e: {  	[smem:$0x3FC6] =	sst s2  }
0x8f: {  	_ = 	snop  }
0x90: {  	s2 =	sld [smem:$0x3FD0];
	(tm) =	ssettm $0x1  }
0x91: {  	s18 =	sld [smem:$0x3FFB];
	_ =	sdelay $0x3  }
0x92: {  	_ =	strace s18  }
0x93: {  	s3 =	sld [smem:$0x3FFC];
	_ =	sdelay $0x3  }
0x94: {  	_ =	strace s3  }
0x95: {  	s3 =	sld [smem:$0x3FFD];
	_ =	sdelay $0x3  }
0x96: {  	_ =	strace s3  }
0x97: {  	_ =	strace $0x8FFFFFFF  }
0x98: {  	s19 =	sld [smem:$0x3FDB];
	_ =	sdelay $0x1  }
0x99: {  	s4 =	simm.s32 $_scs_section_size  }
0x9a: {  	s5 =	simm.s32 $_size__tile_overlayer_lowered;
	s6 =	simm.s32 $_tile_overlayer_lowered  }
0x9b: {  	s22 =	simm.s32 $0x1BFF;
	s21 =	sshll.u32 s6, $0x1;
	s3 =	sadd.s32 s4, s19  }
0x9c: {  	s7 =	simm.s32 $0x0;
	s20 =	sshll.u32 s5, $0x1;
	s5 =	sadd.s32 s21, s3  }
0x9d: {  	[timem:s7], [sflag:s22] =	dma.local [hbm:s5], s20  }
0x9e: {  	_ =	swait.ge [sflag:s22], s20  }
0x9f: {  	s4 =	ssub.s32 $0x0, s20;
	[sflag:s22] =	ssyncset.done $0x0  }
0xa0: {  	[sflag:s22] =	ssyncadd.s32 s4;
	_ =	sdelay $0x1  }
0xa1: {  	s23 =	simm.s32 $0x1B8B  }
0xa2: {  	_ =	swait.ge [sflag:s23], $0x1  }
0xa3: {  	[sflag:s23] =	ssyncset.done $0x0  }
0xa4: {  	s25 =	simm.s32 $0x1B8E;
	s24 =	sld [smem:$0x3FFE];
	[sflag:s23] =	ssyncadd.s32 $0xFFFFFFFF  }
0xa5: {  	s26 =	simm.s32 $execute0_lowered;
	[smem:$0x3FD2] =	sst s25  }
0xa6: {  	s5 =	sshll.u32 s26, $0x1;
	_ =	strace $0x80000046;
	[dreg:$0x1] =	wrdreg $0xFFFFFFFF  }
0xa7: {  	s28 =	simm.s32 $_size_execute0_lowered;
	s3 =	sadd.s32 s3, s5;
	[dreg:$0x0] =	wrdreg $0x0  }
0xa8: {  	s5 =	sshll.u32 s28, $0x1;
	[dreg:$0x2] =	wrdreg s3  }
0xa9: {  	[dreg:$0x3] =	wrdreg s5  }
0xaa: {  	[dreg:$0x4] =	wrdreg $0xC0  }
0xab: {  	_ =	task [dreg:s7], $0x5FFFF  }
0xac: {  	[dreg:$0x1] =	wrdreg $0xFFFFFFFF  }
0xad: {  	[dreg:$0x0] =	wrdreg $0x60  }
0xae: {  	[dreg:$0x2] =	wrdreg s2  }
0xaf: {  	[dreg:$0x3] =	wrdreg s24  }
0xb0: {  	[dreg:$0x4] =	wrdreg $0xDD000  }
0xb1: {  	[dreg:$0x5] =	wrdreg $0x9  }
0xb2: {  	_ =	task.clear_ibuf [dreg:s7], $0x6FFFF;
	_ =	strace $0x90000046  }
0xb3: {  	s29 =	simm.s32 $0x9;
	_ =	strace $0x80000048  }
0xb4: {  	_ =	swait.ge [sflag:s29], $0x1  }
0xb5: {  	[sflag:s29] =	ssyncadd.s32 $0xFFFFFFFF  }
0xb6: {  	_ =	strace $0x90000048  }
0xb7: {  	_ =	sfence  }
0xb8: {  	s30 =	sld [smem:$0x0];
	_ =	sdelay $0x2  }
0xb9: {  	s31 =	sshll.u32 s1, $0xD;
	s1 =	sshrl.u32 s1, $0x2  }
0xba: {  	s3 =	sand.u32 $0x4000, s31;
	s1 =	sadd.s32 s1, s30  }
0xbb: {  	s0 =	sor.u32 s3, s0;
	s1 =	sshll.u32 s1, $0x11  }
0xbc: {  	s0 =	sor.u32 s1, s0  }
0xbd: {  	s0 =	sadd.s32 $0x8F2B, s0  }
0xbe: {  	[sflag:s0] =	ssyncadd.remote.s32 $0x1  }
0xbf: {  	_ =	sfence.sel $0xFFFF  }
0xc0: {  	[dreg:$0x0] =	wrdreg $0xFFFFFFFF;
	(pc) =	sbr.abs _section_cstart, $3  }
0xc1: {  	[dreg:$0x1] =	wrdreg $0xFFFFFFFF  }
0xc2: {  	_ =	task.clear_ibuf [dreg:s7], $0x2FFFF;
	_ =	strace $0x9FFFFFFF  }
0xc3: {  	(tm) =	ssettm $0x7FFFFFFF  }
tec
execute0_lowered:
.L_overlay_start_1:
0x0: {  	(tag) =	ssettag $0x1  }
0x1: {  	s1 =	rddreg [dreg:$0x0]  }
0x2: {  	s15 =	rddreg [dreg:$0x1]  }
0x3: {  	s3 =	rddreg [dreg:$0x2];
	s4 =	simm.s32 $0x0  }
0x4: {  	s0 =	stileid.u32;
	s5 =	srdreg.scid;
	s21 =	simm.s32 $0x2  }
0x5: {  	s23 =	simm.s32 $0x9D00;
	s24 =	simm.s32 $0x1;
	s25 =	simm.s32 $0x80  }
0x6: {  	s26 =	simm.s32 $0x9C80;
	[smem:$0x7FF] =	sst s4;
	s6 =	smul.u32 $0x9D0, s0  }
0x7: {  	s8 =	sand.u32 $0x1, s5;
	s5 =	sadd.s32 $0x600, s15;
	s11 =	smul.u32 $0x9C00, s0  }
0x8: {  	s7 =	sadd.s32 $0x27C00, s15;
	p1 =	sne.s32 s0, $0xF;
	s18 =	sshll.u32 s0, $0x6  }
0x9: {  	p2 =	seq.s32 s0, $0xF;
	_ =	strace $0x80000047;
	s9 =	ssub.s32 $0x2, s8  }
0xa: {  	p0 =	seq.s32 s8, $0x1;
	s19 =	sor.u32 $0x1C02, s18;
	s12 =	sadd.s32 s6, s15  }
0xb: {  	s10 =	sshrl.u32 s9, $0x1;
	s6 =	sadd.s32 $0x3B600, s15;
	s20 =	sadd.s32 s11, s3  }
.Ltmp0:
0xc: {  	s16 =	sshrl.u32 s11, $0x3;
	s15 =	sadd.s32 $0x13E00, s15;
	(pc) =	sbr.rel .LBB2_1-.Ltmp0, $4  }
0xd: {  	s17 =	ssub.s32 s9, s10;
	s8 =	sadd.s32 s1, s16;
	s9 =	sadd.s32 $0x9C000, s3  }
0xe: {  	s10 =	sadd.s32 $0x13800, s1;
	s11 =	sadd.s32 $0x1DE00, s12;
	s12 =	sadd.s32 $0x14000, s12  }
0xf: {  	s13 =	sadd.s32 s6, s16;
	s14 =	sadd.s32 s5, s16;
	s16 =	sadd.s32 s7, s16  }
0x10: {  	s20 =	sshrl.u32 s20, $0x3;
	s17 =	smax.u32 s17, $0x1;
	s22 =	sshrl.u32 @!p1 s9, $0x3  }
.LBB2_8:
0x11: {  	s0 =	sadd.s32 $0x13800, s29;
	s2 =	sshrl.u32 s9, $0x3  }
0x12: {  	[hbm:s0], [sflag:s28] =	dma.local [spmem:s2], $0x80  }
0x13: {  	_ =	swait.ge [sflag:s21], $0x80  }
0x14: {  	[sflag:s21] =	ssyncset.done $0x0  }
0x15: {  	[sflag:s21] =	ssyncadd.s32 $0xFFFFFF80  }
.LBB2_9:
0x16: {  	s4 =	sadd.s32 $0x1, s4  }
0x17: {  	p3 =	sne.s32 s4, s17  }
.Ltmp1:
0x18: {  	_ = 	snop;
	(pc) =	sbr.rel @!p3 .LBB2_10-.Ltmp1, $1  }
0x19: {  	_ =	sdelay $0x3  }
.LBB2_1:
.Ltmp2:
0x1a: {  	(pc) =	sbr.rel @!p0 .LBB2_2-.Ltmp2, $1  }
0x1b: {  	_ =	sdelay $0x3  }
0x1c: {  	[spmem:s20], [sflag:s19] =	dma.local [hbm:s14], $0x1380  }
0x1d: {  	_ =	swait.ge [sflag:s21], $0x1380  }
0x1e: {  	[sflag:s21] =	ssyncset.done $0x0  }
0x1f: {  	s0 =	simm.s32 @!p1 $0x2;
	[sflag:s21] =	ssyncadd.s32 $0xFFFFEC80  }
0x20: {  	[spmem:s22], [sflag:s19] =	dma.local @!p1 [hbm:s15], $0x80  }
0x21: {  	_ =	swait.ge @!p1 [sflag:s0], $0x80  }
0x22: {  	[sflag:s0] =	ssyncset.done @!p1 $0x0  }
0x23: {  	s2 =	simm.s32 $0x0;
	[sflag:s0] =	ssyncadd.s32 @!p1 $0xFFFFFF80  }
0x24: {  	[tilespmem:s2], [sflag:$0x2] =	stream.linear.gather [hbm4b:s11+s2], $0x4E80, $0x38;
	[tilespmem:$0x17948] =	vst v63  }
0x25: {  	_ =	swait.ge [sflag:s21], $0x4E80  }
0x26: {  	[sflag:s21] =	ssyncset.done $0x0  }
0x27: {  	s28 =	simm.s32 $0x4E80;
	[sflag:s21] =	ssyncadd.s32 $0xFFFFB180  }
0x28: {  	[tilespmem:s28], [sflag:$0x2] =	stream.linear.gather [hbm4b:s12+s2], $0x4E80, $0x38;
	[tilespmem:$0x17948] =	vst v63  }
0x29: {  	_ =	swait.ge [sflag:s21], $0x4E80  }
0x2a: {  	[sflag:s21] =	ssyncset.done $0x0  }
0x2b: {  	[sflag:s21] =	ssyncadd.s32 $0xFFFFB180  }
0x2c: {  	s29 =	simm.s32 $0x80;
	[bflag:$0x0] =	sbarrier.arrive $0xFFFF  }
0x2d: {  	[tilespmem:s23], [sflag:$0x1] =	stream.indirect.gather [hbm4b:s5+s29], $0x40, s2, s29, $0xb8;
	[tilespmem:$0x17948] =	vst v63  }
0x2e: {  	s31 =	simm.s32 $0x0;
	_ =	swait.ge [sflag:s24], $0x2000  }
0x2f: {  	s0 =	sand.u32 $0x2000, s31;
	[sflag:s24] =	ssyncset.done $0x0  }
0x30: {  	s2 =	sxor.u32 $0xBD00, s0;
	[sflag:s24] =	ssyncadd.s32 $0xFFFFE000  }
0x31: {  	[tilespmem:s2], [sflag:$0x1] =	stream.indirect.gather [hbm4b:s5+s25], $0x40, s29, s25, $0xb8;
	[tilespmem:$0x17948] =	vst v63  }
0x32: {  	s0 =	sor.u32 $0x9D00, s0  }
0x33: {  	[spmem:s3] =	stream.indirect.scatter.add.f32 [tilespmem:s0], [sflag:$0x2], $0x40, s28, s25, $0xb8;
	[tilespmem:$0x17948] =	vst v63  }
0x34: {  	_ =	swait.ge [sflag:s21], $0x2000  }
0x35: {  	s30 =	simm.s32 $0x1;
	[sflag:s21] =	ssyncset.done $0x0  }
.LBB2_6:
0x36: {  	[sflag:s21] =	ssyncadd.s32 $0xFFFFE000;
	s28 =	sadd.s32 $0x80, s28;
	s29 =	sadd.s32 $0x80, s29  }
0x37: {  	p3 =	sne.s32 s30, $0x9B;
	s0 =	smov.u32 s30;
	s30 =	sadd.s32 $0x1, s30  }
0x38: {  	s0 =	sshll.u32 s0, $0xD;
	_ =	swait.ge [sflag:s24], $0x2000  }
0x39: {  	s0 =	sand.u32 $0x2000, s0;
	[sflag:s24] =	ssyncset.done $0x0  }
0x3a: {  	s2 =	sxor.u32 $0xBD00, s0;
	[sflag:s24] =	ssyncadd.s32 $0xFFFFE000  }
0x3b: {  	[tilespmem:s2], [sflag:$0x1] =	stream.indirect.gather [hbm4b:s5+s25], $0x40, s29, s25, $0xb8;
	[tilespmem:$0x17948] =	vst v63  }
.Ltmp3:
0x3c: {  	_ = 	snop;
	(pc) =	sbr.rel @p3 .LBB2_6-.Ltmp3, $4  }
0x3d: {  	s0 =	sor.u32 $0x9D00, s0  }
0x3e: {  	[spmem:s3] =	stream.indirect.scatter.add.f32 [tilespmem:s0], [sflag:$0x2], $0x40, s28, s25, $0xb8;
	[tilespmem:$0x17948] =	vst v63  }
0x3f: {  	_ =	swait.ge [sflag:s21], $0x2000  }
0x40: {  	[sflag:s21] =	ssyncset.done $0x0  }
0x41: {  	[sflag:s21] =	ssyncadd.s32 $0xFFFFE000  }
0x42: {  	_ =	swait.ge [sflag:s24], $0x2000  }
0x43: {  	[sflag:s24] =	ssyncset.done $0x0  }
0x44: {  	[sflag:s24] =	ssyncadd.s32 $0xFFFFE000  }
0x45: {  	[spmem:s3] =	stream.indirect.scatter.add.f32 [tilespmem:s23], [sflag:$0x2], $0x40, s26, s25, $0xb8;
	[tilespmem:$0x17948] =	vst v63  }
0x46: {  	_ =	swait.ge [sflag:s21], $0x2000  }
0x47: {  	[sflag:s21] =	ssyncset.done $0x0  }
0x48: {  	[sflag:s21] =	ssyncadd.s32 $0xFFFFE000  }
0x49: {  	[bflag:$0x0] =	sbarrier.arrive $0xFFFF  }
0x4a: {  	[hbm:s16], [sflag:s19] =	dma.local [spmem:s20], $0x1380  }
.Ltmp4:
0x4b: {  	_ = 	snop;
	(pc) =	sbr.rel @p1 .LBB2_9-.Ltmp4, $4  }
.Ltmp5:
0x4c: {  	_ = 	snop;
	(pc) =	sbr.rel @!p1 .LBB2_8-.Ltmp5, $4  }
0x4d: {  	_ =	swait.ge [sflag:s21], $0x1380  }
0x4e: {  	[sflag:s21] =	ssyncset.done $0x0  }
0x4f: {  	s29 =	smov.u32 s7;
	s28 =	smov.u32 s19;
	[sflag:s21] =	ssyncadd.s32 $0xFFFFEC80  }
0x50: {  	_ = 	snop  }
.LBB2_2:
0x51: {  	s28 =	sor.u32 $0x1C02, s18  }
0x52: {  	[spmem:s20], [sflag:s28] =	dma.local [hbm:s8], $0x1380  }
0x53: {  	_ =	swait.ge [sflag:s21], $0x1380  }
0x54: {  	[sflag:s21] =	ssyncset.done $0x0  }
0x55: {  	s29 =	simm.s32 @!p1 $0x2;
	[sflag:s21] =	ssyncadd.s32 $0xFFFFEC80  }
0x56: {  	[spmem:s22], [sflag:s28] =	dma.local @!p1 [hbm:s10], $0x80  }
0x57: {  	_ =	swait.ge @!p1 [sflag:s29], $0x80  }
0x58: {  	[sflag:s29] =	ssyncset.done @!p1 $0x0  }
0x59: {  	s31 =	simm.s32 $0x0;
	[sflag:s29] =	ssyncadd.s32 @!p1 $0xFFFFFF80  }
0x5a: {  	[tilespmem:s31], [sflag:$0x2] =	stream.linear.gather [hbm4b:s11+s31], $0x4E80, $0x38;
	[tilespmem:$0x17948] =	vst v63  }
0x5b: {  	_ =	swait.ge [sflag:s21], $0x4E80  }
0x5c: {  	[sflag:s21] =	ssyncset.done $0x0  }
0x5d: {  	s29 =	simm.s32 $0x4E80;
	[sflag:s21] =	ssyncadd.s32 $0xFFFFB180  }
0x5e: {  	[tilespmem:s29], [sflag:$0x2] =	stream.linear.gather [hbm4b:s12+s31], $0x4E80, $0x38;
	[tilespmem:$0x17948] =	vst v63  }
0x5f: {  	_ =	swait.ge [sflag:s21], $0x4E80  }
0x60: {  	[sflag:s21] =	ssyncset.done $0x0  }
0x61: {  	[sflag:s21] =	ssyncadd.s32 $0xFFFFB180  }
0x62: {  	s30 =	simm.s32 $0x80;
	[bflag:$0x0] =	sbarrier.arrive $0xFFFF  }
0x63: {  	[tilespmem:s23], [sflag:$0x1] =	stream.indirect.gather [hbm4b:s1+s30], $0x40, s31, s30, $0xb8;
	[tilespmem:$0x17948] =	vst v63  }
0x64: {  	s31 =	simm.s32 $0x0;
	_ =	swait.ge [sflag:s24], $0x2000  }
0x65: {  	s31 =	sand.u32 $0x2000, s31;
	[sflag:s24] =	ssyncset.done $0x0  }
0x66: {  	s0 =	sxor.u32 $0xBD00, s31;
	[sflag:s24] =	ssyncadd.s32 $0xFFFFE000  }
0x67: {  	[tilespmem:s0], [sflag:$0x1] =	stream.indirect.gather [hbm4b:s1+s25], $0x40, s30, s25, $0xb8;
	[tilespmem:$0x17948] =	vst v63  }
0x68: {  	s2 =	sor.u32 $0x9D00, s31  }
0x69: {  	[spmem:s3] =	stream.indirect.scatter.add.f32 [tilespmem:s2], [sflag:$0x2], $0x40, s29, s25, $0xb8;
	[tilespmem:$0x17948] =	vst v63  }
0x6a: {  	_ =	swait.ge [sflag:s21], $0x2000  }
0x6b: {  	s31 =	simm.s32 $0x1;
	[sflag:s21] =	ssyncset.done $0x0  }
.LBB2_3:
0x6c: {  	[sflag:s21] =	ssyncadd.s32 $0xFFFFE000;
	s29 =	sadd.s32 $0x80, s29;
	s30 =	sadd.s32 $0x80, s30  }
0x6d: {  	p3 =	sne.s32 s31, $0x9B;
	s0 =	smov.u32 s31;
	s31 =	sadd.s32 $0x1, s31  }
0x6e: {  	s0 =	sshll.u32 s0, $0xD;
	_ =	swait.ge [sflag:s24], $0x2000  }
0x6f: {  	s0 =	sand.u32 $0x2000, s0;
	[sflag:s24] =	ssyncset.done $0x0  }
0x70: {  	s2 =	sxor.u32 $0xBD00, s0;
	[sflag:s24] =	ssyncadd.s32 $0xFFFFE000  }
0x71: {  	[tilespmem:s2], [sflag:$0x1] =	stream.indirect.gather [hbm4b:s1+s25], $0x40, s30, s25, $0xb8;
	[tilespmem:$0x17948] =	vst v63  }
.Ltmp6:
0x72: {  	_ = 	snop;
	(pc) =	sbr.rel @p3 .LBB2_3-.Ltmp6, $4  }
0x73: {  	s0 =	sor.u32 $0x9D00, s0  }
0x74: {  	[spmem:s3] =	stream.indirect.scatter.add.f32 [tilespmem:s0], [sflag:$0x2], $0x40, s29, s25, $0xb8;
	[tilespmem:$0x17948] =	vst v63  }
0x75: {  	_ =	swait.ge [sflag:s21], $0x2000  }
0x76: {  	[sflag:s21] =	ssyncset.done $0x0  }
0x77: {  	[sflag:s21] =	ssyncadd.s32 $0xFFFFE000  }
0x78: {  	_ =	swait.ge [sflag:s24], $0x2000  }
0x79: {  	[sflag:s24] =	ssyncset.done $0x0  }
0x7a: {  	[sflag:s24] =	ssyncadd.s32 $0xFFFFE000  }
0x7b: {  	[spmem:s3] =	stream.indirect.scatter.add.f32 [tilespmem:s23], [sflag:$0x2], $0x40, s26, s25, $0xb8;
	[tilespmem:$0x17948] =	vst v63  }
0x7c: {  	_ =	swait.ge [sflag:s21], $0x2000  }
0x7d: {  	[sflag:s21] =	ssyncset.done $0x0  }
0x7e: {  	[sflag:s21] =	ssyncadd.s32 $0xFFFFE000  }
0x7f: {  	[bflag:$0x0] =	sbarrier.arrive $0xFFFF  }
0x80: {  	[hbm:s13], [sflag:s28] =	dma.local [spmem:s20], $0x1380  }
.Ltmp7:
0x81: {  	_ = 	snop;
	(pc) =	sbr.rel @p2 .LBB2_8-.Ltmp7, $4  }
.Ltmp8:
0x82: {  	_ = 	snop;
	(pc) =	sbr.rel @!p2 .LBB2_9-.Ltmp8, $4  }
0x83: {  	_ =	swait.ge [sflag:s21], $0x1380  }
0x84: {  	[sflag:s21] =	ssyncset.done $0x0  }
0x85: {  	s29 =	smov.u32 s6;
	[sflag:s21] =	ssyncadd.s32 $0xFFFFEC80  }
0x86: {  	_ = 	snop  }
.LBB2_10:
0x87: {  	_ =	sfence.sel $0x180000  }
0x88: {  	[bflag:$0x0] =	sbarrier.arrive $0xFFFF  }
0x89: {  	_ =	strace $0x90000047  }
0x8a: {  	s0 =	stileid.u32;
	[bflag:$0x2] =	sbarrier.arrive $0xFFFF  }
0x8b: {  	p0 =	sne.s32 s0, $0x0;
	s0 =	rddreg [dreg:$0x3]  }
0x8c: {  	s0 =	sadd.s32 @!p0 $0x100000, s0  }
0x8d: {  	[sflag:s0] =	ssyncadd.tile.s32 @!p0 $0x1;
	_ =	shalt  }
.Lfunc_end2:
_tile_overlayer_lowered:
.L_overlay_start_2:
0x8e: {  	(tag) =	ssettag $0x2  }
0x8f: {  	s0 =	rddreg [dreg:$0x0];
	s2 =	stileid.u32  }
0x90: {  	s1 =	rddreg [dreg:$0x1];
	p0 =	sne.s32 s2, $0x0  }
0x91: {  	s3 =	rddreg [dreg:$0x2];
	[bflag:$0x3] =	sbarrier.arrive $0xFFFF;
	s2 =	simm.s32 @!p0 $0x1C02  }
0x92: {  	[timem:s3], [sflag:s2] =	dma.local @!p0 [hbm:s0], s1  }
0x93: {  	s0 =	simm.s32 @!p0 $0x2  }
0x94: {  	_ =	swait.ge @!p0 [sflag:s0], s1  }
0x95: {  	s1 =	ssub.s32 @!p0 $0x0, s1;
	[sflag:s0] =	ssyncset.done @!p0 $0x0  }
0x96: {  	[sflag:s0] =	ssyncadd.s32 @!p0 s1  }
0x97: {  	[bflag:$0x3] =	sbarrier.arrive $0xFFFF  }
0x98: {  	_ =	shalt  }

</sc_bundles>
